<compile_context>
chip_gen: v7x
topology: tpu7x:2x2x1
jax: 0.10.2.dev20260603
libtpu: 0.0.44.dev20260713+nightly
codegen_flags: <defaults>
</compile_context>

<pallas_src>
import jax
import jax.numpy as jnp
from jax import lax
from jax.experimental import pallas as pl

_C = 20
_PACK = 128
_W = _C * _PACK
_R1 = 16384
_SPLIT = 26
_R2 = 512


def _body1(x_ref, tg_ref, mk_ref, cnt_ref, s_ref):
    @pl.when(pl.program_id(0) == 0)
    def _init():
        cnt_ref[...] = jnp.zeros_like(cnt_ref)
        s_ref[...] = jnp.zeros_like(s_ref)

    rg = _R1 // 128
    x3 = x_ref[...].reshape(rg, 128, _C)
    xt = jnp.swapaxes(x3, 1, 2)
    tg = tg_ref[...].reshape(rg, 1, 128)
    mk = mk_ref[...].reshape(rg, 1, 128)
    targm = jnp.where(mk > 0, tg, _C)
    ci = lax.broadcasted_iota(jnp.int32, (rg, _C, 128), 1)
    oh = ci == targm

    e = jnp.exp(xt)
    lse = jnp.log(jnp.sum(e, axis=1, keepdims=True))
    t = jnp.sum(jnp.where(oh, xt, 0.0), axis=1, keepdims=True)
    nll = lse - t
    cnt_ref[...] += jnp.sum(oh.astype(jnp.float32), axis=0)
    s_ref[...] += jnp.sum(jnp.where(oh, nll, 0.0), axis=0)


def _body2(x_ref, tg_ref, mk_ref, a_ref, at_ref, cls_ref, cnt_ref, s_ref):
    @pl.when(pl.program_id(0) == 0)
    def _init():
        cnt_ref[...] = jnp.zeros_like(cnt_ref)
        s_ref[...] = jnp.zeros_like(s_ref)

    x = x_ref[...]
    e = jnp.exp(x).astype(jnp.bfloat16)
    se = jnp.dot(e, a_ref[...], preferred_element_type=jnp.float32)
    lse = jnp.log(se)

    tg = tg_ref[...]
    mk = mk_ref[...]
    targm = jnp.where(mk > 0, tg, _C).astype(jnp.bfloat16)
    texp = jnp.dot(targm, at_ref[...], preferred_element_type=jnp.float32)
    lexp = jnp.dot(lse.astype(jnp.bfloat16), at_ref[...],
                   preferred_element_type=jnp.float32)

    oh = texp == cls_ref[0:1, :]
    contrib = jnp.where(oh, lexp - x, 0.0)

    r = x.shape[0]
    cnt_ref[...] += jnp.sum(
        oh.astype(jnp.float32).reshape(r // 8, 8, _W), axis=0)
    s_ref[...] += jnp.sum(contrib.reshape(r // 8, 8, _W), axis=0)


@jax.jit
def kernel(inputs, targ, mask):
    n = inputs.shape[0]
    tgi = targ.astype(jnp.int32)
    mki = mask.astype(jnp.int32)

    m = _SPLIT * _R1 if n > _SPLIT * _R1 else n
    tg1 = tgi[:m].reshape(m // 128, 128)
    mk1 = mki[:m].reshape(m // 128, 128)
    rg = _R1 // 128
    cnt1, s1 = pl.pallas_call(
        _body1,
        grid=(m // _R1,),
        in_specs=[
            pl.BlockSpec((_R1, _C), lambda i: (i, 0)),
            pl.BlockSpec((rg, 128), lambda i: (i, 0)),
            pl.BlockSpec((rg, 128), lambda i: (i, 0)),
        ],
        out_specs=[
            pl.BlockSpec((_C, 128), lambda i: (0, 0)),
            pl.BlockSpec((_C, 128), lambda i: (0, 0)),
        ],
        out_shape=[
            jax.ShapeDtypeStruct((_C, 128), jnp.float32),
            jax.ShapeDtypeStruct((_C, 128), jnp.float32),
        ],
    )(inputs[:m], tg1, mk1)
    cnt20 = cnt1.sum(axis=1)
    s20 = s1.sum(axis=1)

    if m < n:
        g2 = (n - m) // 128
        xp = inputs[m:].reshape(g2, _W)
        tg2 = tgi[m:].reshape(g2, 128)
        mk2 = mki[m:].reshape(g2, 128)
        j = jnp.arange(_W)
        a = (j[:, None] // _C ==
             jnp.arange(_PACK)[None, :]).astype(jnp.bfloat16)
        cls = jnp.broadcast_to((j % _C).astype(jnp.float32), (8, _W))
        r2 = _R2 if g2 % _R2 == 0 else 128
        cnt2, s2 = pl.pallas_call(
            _body2,
            grid=(g2 // r2,),
            in_specs=[
                pl.BlockSpec((r2, _W), lambda i: (i, 0)),
                pl.BlockSpec((r2, _PACK), lambda i: (i, 0)),
                pl.BlockSpec((r2, _PACK), lambda i: (i, 0)),
                pl.BlockSpec((_W, _PACK), lambda i: (0, 0)),
                pl.BlockSpec((_PACK, _W), lambda i: (0, 0)),
                pl.BlockSpec((8, _W), lambda i: (0, 0)),
            ],
            out_specs=[
                pl.BlockSpec((8, _W), lambda i: (0, 0)),
                pl.BlockSpec((8, _W), lambda i: (0, 0)),
            ],
            out_shape=[
                jax.ShapeDtypeStruct((8, _W), jnp.float32),
                jax.ShapeDtypeStruct((8, _W), jnp.float32),
            ],
        )(xp, tg2, mk2, a, a.T, cls)
        cnt20 = cnt20 + cnt2.sum(axis=0).reshape(_PACK, _C).sum(axis=0)
        s20 = s20 + s2.sum(axis=0).reshape(_PACK, _C).sum(axis=0)

    present = cnt20 > 0
    p = jnp.sum(present.astype(jnp.float32))
    return jnp.sum(jnp.where(present, s20 / jnp.maximum(cnt20, 1.0), 0.0)) / p

# --- scband reference (transcript-rebuilt; emitter-appended) ---
"""Pipeline reference for scband-masked-loss-12558484373728 (READ-ONLY COPY).

The authoritative reference and input builder live on the scoring server;
editing this copy changes nothing except your own understanding.
"""

import jax, jax.numpy as jnp
import numpy as np

N = 1048576
NUM_CLASSES = 20

def setup_inputs(seed: int = 0) -> dict:
    key = jax.random.key(seed)
    k1, k2, k3 = jax.random.split(key, 3)
    inputs = jax.random.normal(k1, (N, NUM_CLASSES), dtype=jnp.float32)
    targ = jax.random.randint(k2, (N,), 0, NUM_CLASSES)
    mask = jax.random.randint(k3, (N,), 0, 2).astype(bool)
    return {"inputs": inputs, "targ": targ, "mask": mask}

def reference(inputs, targ, mask):
    # targets = (targ, mask); aas = targ[mask]
    mask_i = mask.astype(jnp.int32)
    # unique/counts -> class weights: 1/count for present classes, 1.0 otherwise
    counts = jnp.zeros((NUM_CLASSES,), dtype=jnp.int32).at[targ].add(mask_i)
    weights = jnp.where(counts > 0,
                        1.0 / jnp.maximum(counts, 1).astype(jnp.float32),
                        jnp.ones((NUM_CLASSES,), dtype=jnp.float32))
    # weighted cross entropy, reduction='mean' (PyTorch semantics: divide by sum of sample weights)
    logp = jax.nn.log_softmax(inputs, axis=-1)
    nll = -jnp.take_along_axis(logp, targ[:, None], axis=-1)[:, 0]
    w = weights[targ] * mask.astype(jnp.float32)
    loss = jnp.sum(w * nll) / jnp.sum(w)
    return loss

if __name__ == "__main__":
    import jax
    _d = setup_inputs()
    print(jax.jit(kernel)(*tuple(_d.values())))

</pallas_src>

<mosaic_0001>
module attributes {stable_mosaic.version = 14 : i64} {
  func.func @_body1(%arg0: i32, %arg1: memref<16384x20xf32, #tpu.memory_space<vmem>>, %arg2: memref<128x128xi32, #tpu.memory_space<vmem>>, %arg3: memref<128x128xi32, #tpu.memory_space<vmem>>, %arg4: memref<20x128xf32, #tpu.memory_space<vmem>>, %arg5: memref<20x128xf32, #tpu.memory_space<vmem>>) attributes {dimension_semantics = [#tpu.dimension_semantics<arbitrary>], iteration_bounds = array<i64: 26>, scalar_prefetch = 0 : i64, scratch_operands = 0 : i64, tpu.core_type = #tpu.core_type<tc>, window_params = [{transform_indices = @transform_0, window_bounds = array<i64: 16384, 20>}, {transform_indices = @transform_1, window_bounds = array<i64: 128, 128>}, {transform_indices = @transform_2, window_bounds = array<i64: 128, 128>}, {pipeline_mode = #tpu.pipeline_mode<synchronous>, transform_indices = @transform_3, window_bounds = array<i64: 20, 128>}, {pipeline_mode = #tpu.pipeline_mode<synchronous>, transform_indices = @transform_4, window_bounds = array<i64: 20, 128>}]} {
    %eq3A = arith.constant 0 : i32
    %eq3A_0 = arith.cmpi eq, %arg0, %eq3A : i32
    %convert_element_type3A = arith.extui %eq3A_0 : i1 to i32
    %cond3A = arith.constant 0 : i32
    %cond3A_1 = arith.cmpi ne, %convert_element_type3A, %cond3A : i32
    scf.if %cond3A_1 {
      %broadcast_in_dim3A_47 = arith.constant 0.000000e+00 : f32
      %broadcast_in_dim3A_48 = vector.broadcast %broadcast_in_dim3A_47 : f32 to vector<20x128xf32>
      %swap3A_49 = arith.constant 0 : index
      %swap3A_50 = arith.constant 0 : index
      %swap3A_51 = vector.load %arg4[%swap3A_49, %swap3A_50] : memref<20x128xf32, #tpu.memory_space<vmem>>, vector<20x128xf32>
      tpu.vector_store %arg4[%swap3A_49, %swap3A_50], %broadcast_in_dim3A_48 {strides = array<i32>} : memref<20x128xf32, #tpu.memory_space<vmem>>, vector<20x128xf32>,
      %broadcast_in_dim3A_52 = arith.constant 0.000000e+00 : f32
      %broadcast_in_dim3A_53 = vector.broadcast %broadcast_in_dim3A_52 : f32 to vector<20x128xf32>
      %swap3A_54 = arith.constant 0 : index
      %swap3A_55 = arith.constant 0 : index
      %swap3A_56 = vector.load %arg5[%swap3A_54, %swap3A_55] : memref<20x128xf32, #tpu.memory_space<vmem>>, vector<20x128xf32>
      tpu.vector_store %arg5[%swap3A_54, %swap3A_55], %broadcast_in_dim3A_53 {strides = array<i32>} : memref<20x128xf32, #tpu.memory_space<vmem>>, vector<20x128xf32>,
    } else {
    }
    %get3A = arith.constant 0 : index
    %get3A_2 = arith.constant 0 : index
    %get3A_3 = vector.load %arg1[%get3A, %get3A_2] : memref<16384x20xf32, #tpu.memory_space<vmem>>, vector<16384x20xf32>
    %reshape3A = vector.shape_cast %get3A_3 : vector<16384x20xf32> to vector<128x128x20xf32>
    %transpose3A = tpu.transpose %reshape3A, [0, 2, 1] : vector<128x128x20xf32> -> vector<128x20x128xf32>
    %get3A_4 = arith.constant 0 : index
    %get3A_5 = arith.constant 0 : index
    %get3A_6 = vector.load %arg2[%get3A_4, %get3A_5] : memref<128x128xi32, #tpu.memory_space<vmem>>, vector<128x128xi32>
    %reshape3A_7 = vector.shape_cast %get3A_6 : vector<128x128xi32> to vector<128x1x128xi32>
    %get3A_8 = arith.constant 0 : index
    %get3A_9 = arith.constant 0 : index
    %get3A_10 = vector.load %arg3[%get3A_8, %get3A_9] : memref<128x128xi32, #tpu.memory_space<vmem>>, vector<128x128xi32>
    %reshape3A_11 = vector.shape_cast %get3A_10 : vector<128x128xi32> to vector<128x1x128xi32>
    %gt3A = arith.constant 0 : i32
    %gt3A_12 = vector.broadcast %gt3A : i32 to vector<128x1x128xi32>
    %gt3A_13 = arith.cmpi sgt, %reshape3A_11, %gt3A_12 : vector<128x1x128xi32>
    %jit3A = arith.constant 20 : i32
    %broadcast_in_dim3A = vector.broadcast %jit3A : i32 to vector<128x1x128xi32>
    %select_n3A = arith.select %gt3A_13, %reshape3A_7, %broadcast_in_dim3A : vector<128x1x128xi1>, vector<128x1x128xi32>
    %iota3A = tpu.iota {dimensions = array<i32: 1>} : vector<128x20x128xi32>
    %eq3A_14 = vector.broadcast %select_n3A : vector<128x1x128xi32> to vector<128x20x128xi32>
    %eq3A_15 = arith.cmpi eq, %iota3A, %eq3A_14 : vector<128x20x128xi32>
    %exp3A = math.exp %transpose3A : vector<128x20x128xf32>
    %reduce_sum3A = arith.constant dense<0.000000e+00> : vector<128x128xf32>
    %reduce_sum3A_16 = vector.multi_reduction <add>, %exp3A, %reduce_sum3A [1] : vector<128x20x128xf32> to vector<128x128xf32>
    %broadcast_in_dim3A_17 = vector.shape_cast %reduce_sum3A_16 : vector<128x128xf32> to vector<128x1x128xf32>
    %log3A = math.log %broadcast_in_dim3A_17 : vector<128x1x128xf32>
    %jit3A_18 = arith.constant 0.000000e+00 : f32
    %broadcast_in_dim3A_19 = vector.broadcast %jit3A_18 : f32 to vector<128x20x128xf32>
    %select_n3A_20 = arith.select %eq3A_15, %transpose3A, %broadcast_in_dim3A_19 : vector<128x20x128xi1>, vector<128x20x128xf32>
    %reduce_sum3A_21 = arith.constant dense<0.000000e+00> : vector<128x128xf32>
    %reduce_sum3A_22 = vector.multi_reduction <add>, %select_n3A_20, %reduce_sum3A_21 [1] : vector<128x20x128xf32> to vector<128x128xf32>
    %broadcast_in_dim3A_23 = vector.shape_cast %reduce_sum3A_22 : vector<128x128xf32> to vector<128x1x128xf32>
    %sub3A = arith.subf %log3A, %broadcast_in_dim3A_23 : vector<128x1x128xf32>
    %get3A_24 = arith.constant 0 : index
    %get3A_25 = arith.constant 0 : index
    %get3A_26 = vector.load %arg4[%get3A_24, %get3A_25] : memref<20x128xf32, #tpu.memory_space<vmem>>, vector<20x128xf32>
    %convert_element_type3A_27 = arith.extui %eq3A_15 : vector<128x20x128xi1> to vector<128x20x128xi32>
    %convert_element_type3A_28 = arith.sitofp %convert_element_type3A_27 : vector<128x20x128xi32> to vector<128x20x128xf32>
    %reduce_sum3A_29 = arith.constant dense<0.000000e+00> : vector<20x128xf32>
    %reduce_sum3A_30 = vector.multi_reduction <add>, %convert_element_type3A_28, %reduce_sum3A_29 [0] : vector<128x20x128xf32> to vector<20x128xf32>
    %add3A = arith.addf %get3A_26, %reduce_sum3A_30 : vector<20x128xf32>
    %swap3A = arith.constant 0 : index
    %swap3A_31 = arith.constant 0 : index
    %swap3A_32 = vector.load %arg4[%swap3A, %swap3A_31] : memref<20x128xf32, #tpu.memory_space<vmem>>, vector<20x128xf32>
    tpu.vector_store %arg4[%swap3A, %swap3A_31], %add3A {strides = array<i32>} : memref<20x128xf32, #tpu.memory_space<vmem>>, vector<20x128xf32>,
    %get3A_33 = arith.constant 0 : index
    %get3A_34 = arith.constant 0 : index
    %get3A_35 = vector.load %arg5[%get3A_33, %get3A_34] : memref<20x128xf32, #tpu.memory_space<vmem>>, vector<20x128xf32>
    %jit3A_36 = arith.constant 0.000000e+00 : f32
    %broadcast_in_dim3A_37 = vector.shape_cast %sub3A : vector<128x1x128xf32> to vector<128x1x128xf32>
    %broadcast_in_dim3A_38 = vector.broadcast %broadcast_in_dim3A_37 : vector<128x1x128xf32> to vector<128x20x128xf32>
    %broadcast_in_dim3A_39 = vector.broadcast %jit3A_36 : f32 to vector<128x20x128xf32>
    %select_n3A_40 = arith.select %eq3A_15, %broadcast_in_dim3A_38, %broadcast_in_dim3A_39 : vector<128x20x128xi1>, vector<128x20x128xf32>
    %reduce_sum3A_41 = arith.constant dense<0.000000e+00> : vector<20x128xf32>
    %reduce_sum3A_42 = vector.multi_reduction <add>, %select_n3A_40, %reduce_sum3A_41 [0] : vector<128x20x128xf32> to vector<20x128xf32>
    %add3A_43 = arith.addf %get3A_35, %reduce_sum3A_42 : vector<20x128xf32>
    %swap3A_44 = arith.constant 0 : index
    %swap3A_45 = arith.constant 0 : index
    %swap3A_46 = vector.load %arg5[%swap3A_44, %swap3A_45] : memref<20x128xf32, #tpu.memory_space<vmem>>, vector<20x128xf32>
    tpu.vector_store %arg5[%swap3A_44, %swap3A_45], %add3A_43 {strides = array<i32>} : memref<20x128xf32, #tpu.memory_space<vmem>>, vector<20x128xf32>,
    return
  }
  func.func @transform_0(%arg0: i32) -> (i32, i32) {
    %c0_i32 = arith.constant 0 : i32
    %c0_i32_0 = arith.constant 0 : i32
    return %arg0, %c0_i32 : i32, i32
  }
  func.func @transform_1(%arg0: i32) -> (i32, i32) {
    %c0_i32 = arith.constant 0 : i32
    %c0_i32_0 = arith.constant 0 : i32
    return %arg0, %c0_i32 : i32, i32
  }
  func.func @transform_2(%arg0: i32) -> (i32, i32) {
    %c0_i32 = arith.constant 0 : i32
    %c0_i32_0 = arith.constant 0 : i32
    return %arg0, %c0_i32 : i32, i32
  }
  func.func @transform_3(%arg0: i32) -> (i32, i32) {
    %c0_i32 = arith.constant 0 : i32
    %c0_i32_0 = arith.constant 0 : i32
    %c0_i32_1 = arith.constant 0 : i32
    return %c0_i32, %c0_i32_0 : i32, i32
  }
  func.func @transform_4(%arg0: i32) -> (i32, i32) {
    %c0_i32 = arith.constant 0 : i32
    %c0_i32_0 = arith.constant 0 : i32
    %c0_i32_1 = arith.constant 0 : i32
    return %c0_i32, %c0_i32_0 : i32, i32
  }
}

module attributes {stable_mosaic.version = 14 : i64} {
  func.func @_body2(%arg0: i32, %arg1: memref<128x2560xf32, #tpu.memory_space<vmem>>, %arg2: memref<128x128xi32, #tpu.memory_space<vmem>>, %arg3: memref<128x128xi32, #tpu.memory_space<vmem>>, %arg4: memref<2560x128xbf16, #tpu.memory_space<vmem>>, %arg5: memref<128x2560xbf16, #tpu.memory_space<vmem>>, %arg6: memref<8x2560xf32, #tpu.memory_space<vmem>>, %arg7: memref<8x2560xf32, #tpu.memory_space<vmem>>, %arg8: memref<8x2560xf32, #tpu.memory_space<vmem>>) attributes {dimension_semantics = [#tpu.dimension_semantics<arbitrary>], iteration_bounds = array<i64: 38>, scalar_prefetch = 0 : i64, scratch_operands = 0 : i64, tpu.core_type = #tpu.core_type<tc>, window_params = [{transform_indices = @transform_0, window_bounds = array<i64: 128, 2560>}, {transform_indices = @transform_1, window_bounds = array<i64: 128, 128>}, {transform_indices = @transform_2, window_bounds = array<i64: 128, 128>}, {pipeline_mode = #tpu.pipeline_mode<synchronous>, transform_indices = @transform_3, window_bounds = array<i64: 2560, 128>}, {pipeline_mode = #tpu.pipeline_mode<synchronous>, transform_indices = @transform_4, window_bounds = array<i64: 128, 2560>}, {pipeline_mode = #tpu.pipeline_mode<synchronous>, transform_indices = @transform_5, window_bounds = array<i64: 8, 2560>}, {pipeline_mode = #tpu.pipeline_mode<synchronous>, transform_indices = @transform_6, window_bounds = array<i64: 8, 2560>}, {pipeline_mode = #tpu.pipeline_mode<synchronous>, transform_indices = @transform_7, window_bounds = array<i64: 8, 2560>}]} {
    %eq3A = arith.constant 0 : i32
    %eq3A_0 = arith.cmpi eq, %arg0, %eq3A : i32
    %convert_element_type3A = arith.extui %eq3A_0 : i1 to i32
    %cond3A = arith.constant 0 : i32
    %cond3A_1 = arith.cmpi ne, %convert_element_type3A, %cond3A : i32
    scf.if %cond3A_1 {
      %broadcast_in_dim3A_55 = arith.constant 0.000000e+00 : f32
      %broadcast_in_dim3A_56 = vector.broadcast %broadcast_in_dim3A_55 : f32 to vector<8x2560xf32>
      %swap3A_57 = arith.constant 0 : index
      %swap3A_58 = arith.constant 0 : index
      %swap3A_59 = vector.load %arg7[%swap3A_57, %swap3A_58] : memref<8x2560xf32, #tpu.memory_space<vmem>>, vector<8x2560xf32>
      tpu.vector_store %arg7[%swap3A_57, %swap3A_58], %broadcast_in_dim3A_56 {strides = array<i32>} : memref<8x2560xf32, #tpu.memory_space<vmem>>, vector<8x2560xf32>,
      %broadcast_in_dim3A_60 = arith.constant 0.000000e+00 : f32
      %broadcast_in_dim3A_61 = vector.broadcast %broadcast_in_dim3A_60 : f32 to vector<8x2560xf32>
      %swap3A_62 = arith.constant 0 : index
      %swap3A_63 = arith.constant 0 : index
      %swap3A_64 = vector.load %arg8[%swap3A_62, %swap3A_63] : memref<8x2560xf32, #tpu.memory_space<vmem>>, vector<8x2560xf32>
      tpu.vector_store %arg8[%swap3A_62, %swap3A_63], %broadcast_in_dim3A_61 {strides = array<i32>} : memref<8x2560xf32, #tpu.memory_space<vmem>>, vector<8x2560xf32>,
    } else {
    }
    %get3A = arith.constant 0 : index
    %get3A_2 = arith.constant 0 : index
    %get3A_3 = vector.load %arg1[%get3A, %get3A_2] : memref<128x2560xf32, #tpu.memory_space<vmem>>, vector<128x2560xf32>
    %exp3A = math.exp %get3A_3 : vector<128x2560xf32>
    %convert_element_type3A_4 = arith.truncf %exp3A : vector<128x2560xf32> to vector<128x2560xbf16>
    %get3A_5 = arith.constant 0 : index
    %get3A_6 = arith.constant 0 : index
    %get3A_7 = vector.load %arg4[%get3A_5, %get3A_6] : memref<2560x128xbf16, #tpu.memory_space<vmem>>, vector<2560x128xbf16>
    %dot_general3A = arith.constant dense<0.000000e+00> : vector<128x128xf32>
    %dot_general3A_8 = tpu.matmul %convert_element_type3A_4, %get3A_7, %dot_general3A {dimension_numbers = #tpu.dot_dimension_numbers<[1], [0], [0], [1], [0, 0, 1, 1], [], []>, transpose_lhs_hint = false} : vector<128x2560xbf16>, vector<2560x128xbf16>, vector<128x128xf32> -> vector<128x128xf32>
    %log3A = math.log %dot_general3A_8 : vector<128x128xf32>
    %get3A_9 = arith.constant 0 : index
    %get3A_10 = arith.constant 0 : index
    %get3A_11 = vector.load %arg2[%get3A_9, %get3A_10] : memref<128x128xi32, #tpu.memory_space<vmem>>, vector<128x128xi32>
    %get3A_12 = arith.constant 0 : index
    %get3A_13 = arith.constant 0 : index
    %get3A_14 = vector.load %arg3[%get3A_12, %get3A_13] : memref<128x128xi32, #tpu.memory_space<vmem>>, vector<128x128xi32>
    %gt3A = arith.constant 0 : i32
    %gt3A_15 = vector.broadcast %gt3A : i32 to vector<128x128xi32>
    %gt3A_16 = arith.cmpi sgt, %get3A_14, %gt3A_15 : vector<128x128xi32>
    %jit3A = arith.constant 20 : i32
    %broadcast_in_dim3A = vector.broadcast %jit3A : i32 to vector<128x128xi32>
    %select_n3A = arith.select %gt3A_16, %get3A_11, %broadcast_in_dim3A : vector<128x128xi1>, vector<128x128xi32>
    %convert_element_type3A_17 = arith.sitofp %select_n3A : vector<128x128xi32> to vector<128x128xbf16>
    %get3A_18 = arith.constant 0 : index
    %get3A_19 = arith.constant 0 : index
    %get3A_20 = vector.load %arg5[%get3A_18, %get3A_19] : memref<128x2560xbf16, #tpu.memory_space<vmem>>, vector<128x2560xbf16>
    %dot_general3A_21 = arith.constant dense<0.000000e+00> : vector<128x2560xf32>
    %dot_general3A_22 = tpu.matmul %convert_element_type3A_17, %get3A_20, %dot_general3A_21 {dimension_numbers = #tpu.dot_dimension_numbers<[1], [0], [0], [1], [0, 0, 1, 1], [], []>, transpose_lhs_hint = false} : vector<128x128xbf16>, vector<128x2560xbf16>, vector<128x2560xf32> -> vector<128x2560xf32>
    %convert_element_type3A_23 = arith.truncf %log3A : vector<128x128xf32> to vector<128x128xbf16>
    %get3A_24 = arith.constant 0 : index
    %get3A_25 = arith.constant 0 : index
    %get3A_26 = vector.load %arg5[%get3A_24, %get3A_25] : memref<128x2560xbf16, #tpu.memory_space<vmem>>, vector<128x2560xbf16>
    %dot_general3A_27 = arith.constant dense<0.000000e+00> : vector<128x2560xf32>
    %dot_general3A_28 = tpu.matmul %convert_element_type3A_23, %get3A_26, %dot_general3A_27 {dimension_numbers = #tpu.dot_dimension_numbers<[1], [0], [0], [1], [0, 0, 1, 1], [], []>, transpose_lhs_hint = false} : vector<128x128xbf16>, vector<128x2560xbf16>, vector<128x2560xf32> -> vector<128x2560xf32>
    %get3A_29 = arith.constant 0 : index
    %get3A_30 = arith.constant 0 : index
    %get3A_31 = vector.load %arg6[%get3A_29, %get3A_30] : memref<8x2560xf32, #tpu.memory_space<vmem>>, vector<1x2560xf32>
    %eq3A_32 = vector.broadcast %get3A_31 : vector<1x2560xf32> to vector<128x2560xf32>
    %eq3A_33 = arith.cmpf oeq, %dot_general3A_22, %eq3A_32 : vector<128x2560xf32>
    %sub3A = arith.subf %dot_general3A_28, %get3A_3 : vector<128x2560xf32>
    %jit3A_34 = arith.constant 0.000000e+00 : f32
    %broadcast_in_dim3A_35 = vector.broadcast %jit3A_34 : f32 to vector<128x2560xf32>
    %select_n3A_36 = arith.select %eq3A_33, %sub3A, %broadcast_in_dim3A_35 : vector<128x2560xi1>, vector<128x2560xf32>
    %get3A_37 = arith.constant 0 : index
    %get3A_38 = arith.constant 0 : index
    %get3A_39 = vector.load %arg7[%get3A_37, %get3A_38] : memref<8x2560xf32, #tpu.memory_space<vmem>>, vector<8x2560xf32>
    %convert_element_type3A_40 = arith.extui %eq3A_33 : vector<128x2560xi1> to vector<128x2560xi32>
    %convert_element_type3A_41 = arith.sitofp %convert_element_type3A_40 : vector<128x2560xi32> to vector<128x2560xf32>
    %reshape3A = vector.shape_cast %convert_element_type3A_41 : vector<128x2560xf32> to vector<16x8x2560xf32>
    %reduce_sum3A = arith.constant dense<0.000000e+00> : vector<8x2560xf32>
    %reduce_sum3A_42 = vector.multi_reduction <add>, %reshape3A, %reduce_sum3A [0] : vector<16x8x2560xf32> to vector<8x2560xf32>
    %add3A = arith.addf %get3A_39, %reduce_sum3A_42 : vector<8x2560xf32>
    %swap3A = arith.constant 0 : index
    %swap3A_43 = arith.constant 0 : index
    %swap3A_44 = vector.load %arg7[%swap3A, %swap3A_43] : memref<8x2560xf32, #tpu.memory_space<vmem>>, vector<8x2560xf32>
    tpu.vector_store %arg7[%swap3A, %swap3A_43], %add3A {strides = array<i32>} : memref<8x2560xf32, #tpu.memory_space<vmem>>, vector<8x2560xf32>,
    %get3A_45 = arith.constant 0 : index
    %get3A_46 = arith.constant 0 : index
    %get3A_47 = vector.load %arg8[%get3A_45, %get3A_46] : memref<8x2560xf32, #tpu.memory_space<vmem>>, vector<8x2560xf32>
    %reshape3A_48 = vector.shape_cast %select_n3A_36 : vector<128x2560xf32> to vector<16x8x2560xf32>
    %reduce_sum3A_49 = arith.constant dense<0.000000e+00> : vector<8x2560xf32>
    %reduce_sum3A_50 = vector.multi_reduction <add>, %reshape3A_48, %reduce_sum3A_49 [0] : vector<16x8x2560xf32> to vector<8x2560xf32>
    %add3A_51 = arith.addf %get3A_47, %reduce_sum3A_50 : vector<8x2560xf32>
    %swap3A_52 = arith.constant 0 : index
    %swap3A_53 = arith.constant 0 : index
    %swap3A_54 = vector.load %arg8[%swap3A_52, %swap3A_53] : memref<8x2560xf32, #tpu.memory_space<vmem>>, vector<8x2560xf32>
    tpu.vector_store %arg8[%swap3A_52, %swap3A_53], %add3A_51 {strides = array<i32>} : memref<8x2560xf32, #tpu.memory_space<vmem>>, vector<8x2560xf32>,
    return
  }
  func.func @transform_0(%arg0: i32) -> (i32, i32) {
    %c0_i32 = arith.constant 0 : i32
    %c0_i32_0 = arith.constant 0 : i32
    return %arg0, %c0_i32 : i32, i32
  }
  func.func @transform_1(%arg0: i32) -> (i32, i32) {
    %c0_i32 = arith.constant 0 : i32
    %c0_i32_0 = arith.constant 0 : i32
    return %arg0, %c0_i32 : i32, i32
  }
  func.func @transform_2(%arg0: i32) -> (i32, i32) {
    %c0_i32 = arith.constant 0 : i32
    %c0_i32_0 = arith.constant 0 : i32
    return %arg0, %c0_i32 : i32, i32
  }
  func.func @transform_3(%arg0: i32) -> (i32, i32) {
    %c0_i32 = arith.constant 0 : i32
    %c0_i32_0 = arith.constant 0 : i32
    %c0_i32_1 = arith.constant 0 : i32
    return %c0_i32, %c0_i32_0 : i32, i32
  }
  func.func @transform_4(%arg0: i32) -> (i32, i32) {
    %c0_i32 = arith.constant 0 : i32
    %c0_i32_0 = arith.constant 0 : i32
    %c0_i32_1 = arith.constant 0 : i32
    return %c0_i32, %c0_i32_0 : i32, i32
  }
  func.func @transform_5(%arg0: i32) -> (i32, i32) {
    %c0_i32 = arith.constant 0 : i32
    %c0_i32_0 = arith.constant 0 : i32
    %c0_i32_1 = arith.constant 0 : i32
    return %c0_i32, %c0_i32_0 : i32, i32
  }
  func.func @transform_6(%arg0: i32) -> (i32, i32) {
    %c0_i32 = arith.constant 0 : i32
    %c0_i32_0 = arith.constant 0 : i32
    %c0_i32_1 = arith.constant 0 : i32
    return %c0_i32, %c0_i32_0 : i32, i32
  }
  func.func @transform_7(%arg0: i32) -> (i32, i32) {
    %c0_i32 = arith.constant 0 : i32
    %c0_i32_0 = arith.constant 0 : i32
    %c0_i32_1 = arith.constant 0 : i32
    return %c0_i32, %c0_i32_0 : i32, i32
  }
}

</mosaic_0001>

<sc_bundles>
// kernel: sparse-core-data-format-call.cloned.1.call-start
scs
called_computation_lowered:
.L_overlay_start_0:
0x0: {  	s1 =	sld [smem:$0x3FD9]  }
0x1: {  	s2 =	sld [smem:$0x3FFE];
	_ =	sdelay $0x1  }
0x2: {  	s3 =	srdreg.scid  }
0x3: {  	s0 =	sand.u32 $0x1, s3  }
0x4: {  	s17 =	sshll.u32 s0, $0xA;
	s1 =	sadd.s32 s2, s1  }
0x5: {  	s1 =	sadd.s32 s1, s17  }
0x6: {  	[smem:$0x3FC5] =	sst s1  }
0x7: {  	_ = 	snop  }
0x8: {  	(tm) =	ssettm $0x1  }
0x9: {  	s18 =	sld [smem:$0x3FFB];
	_ =	sdelay $0x3  }
0xa: {  	_ =	strace s18  }
0xb: {  	s1 =	sld [smem:$0x3FFC];
	_ =	sdelay $0x3  }
0xc: {  	_ =	strace s1  }
0xd: {  	s1 =	sld [smem:$0x3FFD];
	_ =	sdelay $0x3  }
0xe: {  	_ =	strace s1  }
0xf: {  	_ =	strace $0x8FFFFFFF  }
0x10: {  	s19 =	sld [smem:$0x3FDB];
	_ =	sdelay $0x1  }
0x11: {  	s20 =	simm.s32 $_scs_section_size  }
0x12: {  	s4 =	simm.s32 $_size__tile_overlayer_lowered;
	s5 =	simm.s32 $_tile_overlayer_lowered  }
0x13: {  	s23 =	simm.s32 $0x1BFF;
	s22 =	sshll.u32 s5, $0x1;
	s1 =	sadd.s32 s20, s19  }
0x14: {  	s6 =	simm.s32 $0x0;
	s21 =	sshll.u32 s4, $0x1;
	s4 =	sadd.s32 s22, s1  }
0x15: {  	[timem:s6], [sflag:s23] =	dma.local [hbm:s4], s21  }
0x16: {  	_ =	swait.ge [sflag:s23], s21  }
0x17: {  	s2 =	ssub.s32 $0x0, s21;
	[sflag:s23] =	ssyncset.done $0x0  }
0x18: {  	[sflag:s23] =	ssyncadd.s32 s2;
	_ =	sdelay $0x1  }
0x19: {  	s24 =	simm.s32 $0x1B8B  }
0x1a: {  	_ =	swait.ge [sflag:s24], $0x1  }
0x1b: {  	[sflag:s24] =	ssyncset.done $0x0  }
0x1c: {  	s26 =	simm.s32 $0x1B8E;
	s25 =	sld [smem:$0x3FFE];
	[sflag:s24] =	ssyncadd.s32 $0xFFFFFFFF  }
0x1d: {  	s27 =	simm.s32 $execute0_lowered;
	[smem:$0x3FD2] =	sst s26  }
0x1e: {  	s4 =	sshll.u32 s27, $0x1;
	_ =	strace $0x80000046;
	[dreg:$0x1] =	wrdreg $0xFFFFFFFF  }
0x1f: {  	s28 =	simm.s32 $_size_execute0_lowered;
	s1 =	sadd.s32 s1, s4;
	[dreg:$0x0] =	wrdreg $0x0  }
0x20: {  	s4 =	sshll.u32 s28, $0x1;
	[dreg:$0x2] =	wrdreg s1  }
0x21: {  	[dreg:$0x3] =	wrdreg s4  }
0x22: {  	[dreg:$0x4] =	wrdreg $0xC0  }
0x23: {  	_ =	task [dreg:s6], $0x5FFFF  }
0x24: {  	[dreg:$0x1] =	wrdreg $0xFFFFFFFF  }
0x25: {  	[dreg:$0x0] =	wrdreg $0x60  }
0x26: {  	[dreg:$0x2] =	wrdreg s25  }
0x27: {  	[dreg:$0x3] =	wrdreg $0x9  }
0x28: {  	_ =	task.clear_ibuf [dreg:s6], $0x4FFFF;
	_ =	strace $0x90000046  }
0x29: {  	s29 =	simm.s32 $0x9;
	_ =	strace $0x80000048  }
0x2a: {  	_ =	swait.ge [sflag:s29], $0x1  }
0x2b: {  	[sflag:s29] =	ssyncadd.s32 $0xFFFFFFFF  }
0x2c: {  	_ =	strace $0x90000048  }
0x2d: {  	_ =	sfence  }
0x2e: {  	s30 =	sld [smem:$0x0];
	_ =	sdelay $0x2  }
0x2f: {  	s31 =	sshll.u32 s3, $0xD;
	s3 =	sshrl.u32 s3, $0x2  }
0x30: {  	s2 =	sand.u32 $0x4000, s31;
	s1 =	sadd.s32 s3, s30  }
0x31: {  	s0 =	sor.u32 s2, s0;
	s1 =	sshll.u32 s1, $0x11  }
0x32: {  	s0 =	sor.u32 s1, s0  }
0x33: {  	s0 =	sadd.s32 $0x8F2B, s0  }
0x34: {  	[sflag:s0] =	ssyncadd.remote.s32 $0x1  }
0x35: {  	_ =	sfence.sel $0xFFFF  }
0x36: {  	[dreg:$0x0] =	wrdreg $0xFFFFFFFF;
	(pc) =	sbr.abs _section_cstart, $3  }
0x37: {  	[dreg:$0x1] =	wrdreg $0xFFFFFFFF  }
0x38: {  	_ =	task.clear_ibuf [dreg:s6], $0x2FFFF;
	_ =	strace $0x9FFFFFFF  }
0x39: {  	(tm) =	ssettm $0x7FFFFFFF  }
tec
execute0_lowered:
.L_overlay_start_1:
0x0: {  	(tag) =	ssettag $0x1  }
0x1: {  	s0 =	srdreg.scid  }
0x2: {  	s1 =	sshll.u32 s0, $0x4  }
0x3: {  	s0 =	stileid.u32;
	s1 =	sand.u32 $0x10, s1  }
0x4: {  	s1 =	sor.u32 s0, s1  }
0x5: {  	s4 =	simm.s32 $0x1;
	s2 =	sshll.u32 s1, $0xB  }
0x6: {  	s7 =	simm.s32 $0x2;
	s13 =	simm.s32 $0x0;
	s1 =	ssub.s32 $0x98000, s2  }
0x7: {  	s8 =	simm.s32 $0x80;
	s12 =	simm.s32 $0x0;
	s3 =	sand.u32 $0xF800, s1  }
0x8: {  	s10 =	simm.s32 $0x0;
	s5 =	sshrl.u32 s1, $0x10;
	p0 =	sne.s32 s3, $0x0  }
.Ltmp0:
0x9: {  	s1 =	rddreg [dreg:$0x1];
	s4 =	simm.s32 @!p0 $0x0;
	(pc) =	sbr.rel .LBB1_1-.Ltmp0, $4  }
0xa: {  	s11 =	simm.s32 $0x0;
	s3 =	rddreg [dreg:$0x0];
	s5 =	sadd.s32 s4, s5  }
0xb: {  	_ =	strace $0x80000047;
	s4 =	simm.s32 $0x1;
	s5 =	smul.u32 $0x3, s5  }
0xc: {  	s9 =	smov.u32 s2;
	s6 =	sadd.s32 $0x1C8000, s3;
	[sflag:s4] =	ssyncpa.u1 $0x0  }
0xd: {  	p0 =	por $0x0, $0x0;
	[sflag:s7] =	ssyncpa.u1 $0x0;
	s7 =	sadd.s32 $0x1, s5  }
.LBB1_7:
0xe: {  	s14 =	sadd.s32 $0x10000, s9  }
0xf: {  	s12 =	sadd.s32 $0x8, s10;
	s16 =	smov.u32 s10;
	p2 =	sgt.s32 s14, $0x97FFF  }
0x10: {  	s16 =	smov.u32 @p2 s12  }
0x11: {  	s14 =	smov.u32 @p2 s2;
	p2 =	sgt.s32 s16, $0x13  }
0x12: {  	s16 =	simm.s32 @p2 $0x0;
	p2 =	sne.s32 s11, s7  }
.Ltmp1:
0x13: {  	p1 =	slt.u32 s11, $0x2;
	(pc) =	sbr.rel @!p2 .LBB1_8-.Ltmp1, $4  }
0x14: {  	s15 =	simm.s32 @!p1 $0x2  }
0x15: {  	s13 =	smov.u32 s9;
	p0 =	por !p0, !p0;
	_ =	swait.ge @!p1 [sflag:s15], $0x4000  }
0x16: {  	s12 =	smov.u32 s10;
	[sflag:s15] =	ssyncset.done @!p1 $0x0;
	s9 =	smov.u32 s14  }
0x17: {  	s11 =	sadd.s32 $0x1, s11;
	[sflag:s15] =	ssyncadd.s32 @!p1 $0xFFFFC000;
	s10 =	smov.u32 s16  }
.LBB1_1:
0x18: {  	p1 =	sge.u32 s11, s5  }
0x19: {  	s14 =	sshrl.u32 @!p1 s10, $0x3  }
0x1a: {  	s15 =	sshll.u32 @!p1 s9, $0x3;
	s14 =	smul.u32 @!p1 $0x4C0000, s14  }
0x1b: {  	s15 =	sand.u32 @!p1 $0xFFFFFC00, s15  }
0x1c: {  	s14 =	sadd.s32 @!p1 s14, s15  }
0x1d: {  	s15 =	sshrl.u32 @!p1 s14, $0xF  }
0x1e: {  	s15 =	smulhi.u32 @!p1 $0xD79435F, s15;
	_ =	sdelay $0x1  }
0x1f: {  	s16 =	smul.u32 @!p1 $0xAAB, s15;
	_ =	sdelay $0x1  }
0x20: {  	s17 =	sshll.u32 @!p1 s10, $0x7;
	s16 =	sshrl.u32 @!p1 s16, $0x10  }
0x21: {  	s18 =	sand.u32 @!p1 $0x7F, s9;
	s17 =	sand.u32 @!p1 $0x380, s17;
	s16 =	smul.u32 @!p1 $0x18, s16  }
0x22: {  	s17 =	sor.u32 @!p1 s18, s17;
	s18 =	smul.u32 @!p1 $0x98000, s15  }
0x23: {  	s14 =	sor.u32 @!p1 s14, s17;
	s15 =	ssub.s32 @!p1 s15, s16  }
0x24: {  	s14 =	ssub.s32 @!p1 s14, s18;
	s15 =	sand.u32 @!p1 $0xFFFF, s15  }
0x25: {  	s17 =	sshrl.u32 @!p1 s14, $0x3;
	s16 =	sxor.u32 @!p1 $0xFFFFFFFF, s11;
	s15 =	smul.u32 @!p1 $0x13000, s15  }
0x26: {  	s31 =	sadd.s32 $0xFFFFFFFF, s11;
	s17 =	sadd.s32 @!p1 s3, s17;
	s16 =	sshll.u32 @!p1 s16, $0xE  }
0x27: {  	s14 =	sand.u32 @!p1 $0x7, s14;
	s16 =	sand.u32 @!p1 $0x4000, s16;
	s15 =	sadd.s32 @!p1 s15, s17  }
0x28: {  	[tilespmem:s16], [sflag:$0x1] =	stream.linear.gather @!p1 [hbm4b:s15+s14], $0x4000, $0x38;
	[tilespmem:$0x11000] =	vst v63  }
0x29: {  	p1 =	sge.u32 s31, s5  }
.Ltmp2:
0x2a: {  	_ = 	snop;
	(pc) =	sbr.rel @p1 .LBB1_7-.Ltmp2, $1  }
0x2b: {  	_ =	sdelay $0x3  }
0x2c: {  	s14 =	simm.s32 $0x1;
	s16 =	sand.u32 $0x1, s11  }
0x2d: {  	_ =	swait.ge [sflag:s4], $0x4000;
	s14 =	simm.s32 @!p0 $0x0;
	s17 =	smul.u32 $0x12000, s16  }
0x2e: {  	[sflag:s4] =	ssyncset.done $0x0;
	s15 =	smul.u32 $0x12000, s14  }
0x2f: {  	s14 =	sshll.u32 s14, $0xE;
	[sflag:s4] =	ssyncadd.s32 $0xFFFFC000  }
0x30: {  	s16 =	sor.u32 $0x800, s14;
	s31 =	sshrl.u32 s17, $0x2;
	s15 =	sshrl.u32 s15, $0x2  }
0x31: {  	s17 =	simm.s32 $0x0;
	s14 =	sor.u32 $0x8000, s31;
	s15 =	sadd.s32 $0x9170, s15  }
.LBB1_3:
0x32: {  	v0 =	vld [tilespmem:s16+$0x470]  }
0x33: {  	v1 =	vld [tilespmem:s16+$0xFFFFF810]  }
0x34: {  	v2 =	vld [tilespmem:s16+$0xFFFFF820]  }
0x35: {  	v3 =	vld [tilespmem:s16+$0xFFFFF830]  }
0x36: {  	v4 =	vld [tilespmem:s16+$0xFFFFF840]  }
0x37: {  	v5 =	vld [tilespmem:s16+$0xFFFFF850];
	[tilespmem:s15+$0x0 ss:$0x9] =	vst.msk $0xffff, v0  }
0x38: {  	[tilespmem:s15+$0xFFFFEF20 ss:$0x9] =	vst.msk $0xffff, v1;
	v0 =	vld [tilespmem:s16+$0xFFFFF860]  }
0x39: {  	[tilespmem:s15+$0xFFFFEFB0 ss:$0x9] =	vst.msk $0xffff, v2;
	v1 =	vld [tilespmem:s16+$0xFFFFF870]  }
0x3a: {  	[tilespmem:s15+$0xFFFFF040 ss:$0x9] =	vst.msk $0xffff, v3;
	v2 =	vld [tilespmem:s16+$0xFFFFFC00]  }
0x3b: {  	[tilespmem:s15+$0xFFFFF0D0 ss:$0x9] =	vst.msk $0xffff, v4;
	v3 =	vld [tilespmem:s16+$0xFFFFFC10]  }
0x3c: {  	[tilespmem:s15+$0xFFFFF160 ss:$0x9] =	vst.msk $0xffff, v5;
	v4 =	vld [tilespmem:s16+$0xFFFFFC20]  }
0x3d: {  	v5 =	vld [tilespmem:s16+$0x420];
	[tilespmem:s15+$0xFFFFF1F0 ss:$0x9] =	vst.msk $0xffff, v0  }
0x3e: {  	v0 =	vld [tilespmem:s16+$0xFFFFFC30];
	[tilespmem:s15+$0xFFFFF280 ss:$0x9] =	vst.msk $0xffff, v1  }
0x3f: {  	v1 =	vld [tilespmem:s16+$0xFFFFFC40];
	[tilespmem:s15+$0xFFFFF310 ss:$0x9] =	vst.msk $0xffff, v2  }
0x40: {  	[tilespmem:s15+$0xFFFFF3A0 ss:$0x9] =	vst.msk $0xffff, v3;
	v3 =	vld [tilespmem:s16+$0xFFFFFC60]  }
0x41: {  	[tilespmem:s15+$0xFFFFF430 ss:$0x9] =	vst.msk $0xffff, v4;
	v4 =	vld [tilespmem:s16+$0xFFFFFC70]  }
0x42: {  	v2 =	vld [tilespmem:s16+$0xFFFFFC50];
	[tilespmem:s15+$0xFFFFFD30 ss:$0x9] =	vst.msk $0xffff, v5  }
0x43: {  	[tilespmem:s15+$0xFFFFF4C0 ss:$0x9] =	vst.msk $0xffff, v0;
	v0 =	vld [tilespmem:s16+$0x0]  }
0x44: {  	[tilespmem:s15+$0xFFFFF550 ss:$0x9] =	vst.msk $0xffff, v1;
	v1 =	vld [tilespmem:s16+$0x10]  }
0x45: {  	[tilespmem:s15+$0xFFFFF670 ss:$0x9] =	vst.msk $0xffff, v3;
	v3 =	vld [tilespmem:s16+$0x30]  }
0x46: {  	[tilespmem:s15+$0xFFFFF700 ss:$0x9] =	vst.msk $0xffff, v4;
	v4 =	vld [tilespmem:s16+$0x40]  }
0x47: {  	[tilespmem:s15+$0xFFFFF5E0 ss:$0x9] =	vst.msk $0xffff, v2;
	v2 =	vld [tilespmem:s16+$0x20]  }
0x48: {  	[tilespmem:s15+$0xFFFFF790 ss:$0x9] =	vst.msk $0xffff, v0;
	v0 =	vld [tilespmem:s16+$0x50]  }
0x49: {  	[tilespmem:s15+$0xFFFFF820 ss:$0x9] =	vst.msk $0xffff, v1;
	v1 =	vld [tilespmem:s16+$0x60]  }
0x4a: {  	[tilespmem:s15+$0xFFFFF940 ss:$0x9] =	vst.msk $0xffff, v3;
	v3 =	vld [tilespmem:s16+$0x400]  }
0x4b: {  	[tilespmem:s15+$0xFFFFF9D0 ss:$0x9] =	vst.msk $0xffff, v4;
	v4 =	vld [tilespmem:s16+$0x410]  }
0x4c: {  	[tilespmem:s15+$0xFFFFF8B0 ss:$0x9] =	vst.msk $0xffff, v2;
	v2 =	vld [tilespmem:s16+$0x70]  }
0x4d: {  	[tilespmem:s15+$0xFFFFFA60 ss:$0x9] =	vst.msk $0xffff, v0;
	v0 =	vld [tilespmem:s16+$0x430]  }
0x4e: {  	[tilespmem:s15+$0xFFFFFAF0 ss:$0x9] =	vst.msk $0xffff, v1;
	v1 =	vld [tilespmem:s16+$0x440]  }
0x4f: {  	[tilespmem:s15+$0xFFFFFC10 ss:$0x9] =	vst.msk $0xffff, v3;
	v3 =	vld [tilespmem:s16+$0x450]  }
0x50: {  	[tilespmem:s15+$0xFFFFFCA0 ss:$0x9] =	vst.msk $0xffff, v4;
	v4 =	vld [tilespmem:s16+$0x460]  }
0x51: {  	s19 =	simm.s32 $0x0;
	s20 =	sadd.s32 $0x1000, s16;
	s18 =	smov.u32 s15;
	[tilespmem:s15+$0xFFFFFB80 ss:$0x9] =	vst.msk $0xffff, v2;
	v2 =	vld [tilespmem:s16+$0xFFFFF800]  }
.LBB1_4:
0x52: {  	v5 =	vld [tilespmem:s20+$0x470];
	s19 =	sadd.s32 $0x200, s19;
	[tilespmem:s18+$0xFFFFFDC0 ss:$0x9] =	vst.msk $0xffff, v0  }
0x53: {  	v0 =	vld [tilespmem:s20+$0xFFFFF810];
	p1 =	slt.u32 s19, $0x600;
	[tilespmem:s18+$0xFFFFFE50 ss:$0x9] =	vst.msk $0xffff, v1  }
0x54: {  	v1 =	vld [tilespmem:s20+$0xFFFFF820];
	[tilespmem:s18+$0xFFFFFEE0 ss:$0x9] =	vst.msk $0xffff, v3  }
0x55: {  	v3 =	vld [tilespmem:s20+$0xFFFFF830];
	[tilespmem:s18+$0xFFFFFF70 ss:$0x9] =	vst.msk $0xffff, v4  }
0x56: {  	v4 =	vld [tilespmem:s20+$0xFFFFF840];
	[tilespmem:s18+$0xFFFFEE90 ss:$0x9] =	vst.msk $0xffff, v2;
	s18 =	sadd.s32 $0x1200, s18  }
0x57: {  	v2 =	vld [tilespmem:s20+$0xFFFFF850];
	[tilespmem:s18+$0x0 ss:$0x9] =	vst.msk $0xffff, v5  }
0x58: {  	[tilespmem:s18+$0xFFFFEF20 ss:$0x9] =	vst.msk $0xffff, v0;
	v0 =	vld [tilespmem:s20+$0xFFFFF860]  }
0x59: {  	[tilespmem:s18+$0xFFFFEFB0 ss:$0x9] =	vst.msk $0xffff, v1;
	v1 =	vld [tilespmem:s20+$0xFFFFF870]  }
0x5a: {  	[tilespmem:s18+$0xFFFFF040 ss:$0x9] =	vst.msk $0xffff, v3;
	v3 =	vld [tilespmem:s20+$0xFFFFFC00]  }
0x5b: {  	[tilespmem:s18+$0xFFFFF0D0 ss:$0x9] =	vst.msk $0xffff, v4;
	v4 =	vld [tilespmem:s20+$0xFFFFFC10]  }
0x5c: {  	[tilespmem:s18+$0xFFFFF160 ss:$0x9] =	vst.msk $0xffff, v2;
	v2 =	vld [tilespmem:s20+$0xFFFFFC20]  }
0x5d: {  	[tilespmem:s18+$0xFFFFF1F0 ss:$0x9] =	vst.msk $0xffff, v0;
	v0 =	vld [tilespmem:s20+$0xFFFFFC30]  }
0x5e: {  	[tilespmem:s18+$0xFFFFF280 ss:$0x9] =	vst.msk $0xffff, v1;
	v1 =	vld [tilespmem:s20+$0xFFFFFC40]  }
0x5f: {  	[tilespmem:s18+$0xFFFFF310 ss:$0x9] =	vst.msk $0xffff, v3;
	v3 =	vld [tilespmem:s20+$0xFFFFFC50]  }
0x60: {  	[tilespmem:s18+$0xFFFFF3A0 ss:$0x9] =	vst.msk $0xffff, v4;
	v4 =	vld [tilespmem:s20+$0xFFFFFC60]  }
0x61: {  	[tilespmem:s18+$0xFFFFF430 ss:$0x9] =	vst.msk $0xffff, v2;
	v2 =	vld [tilespmem:s20+$0xFFFFFC70]  }
0x62: {  	[tilespmem:s18+$0xFFFFF4C0 ss:$0x9] =	vst.msk $0xffff, v0;
	v0 =	vld [tilespmem:s20+$0x0]  }
0x63: {  	[tilespmem:s18+$0xFFFFF550 ss:$0x9] =	vst.msk $0xffff, v1;
	v1 =	vld [tilespmem:s20+$0x10]  }
0x64: {  	[tilespmem:s18+$0xFFFFF5E0 ss:$0x9] =	vst.msk $0xffff, v3;
	v3 =	vld [tilespmem:s20+$0x20]  }
0x65: {  	[tilespmem:s18+$0xFFFFF670 ss:$0x9] =	vst.msk $0xffff, v4;
	v4 =	vld [tilespmem:s20+$0x30]  }
0x66: {  	[tilespmem:s18+$0xFFFFF700 ss:$0x9] =	vst.msk $0xffff, v2;
	v2 =	vld [tilespmem:s20+$0x40]  }
0x67: {  	[tilespmem:s18+$0xFFFFF790 ss:$0x9] =	vst.msk $0xffff, v0;
	v0 =	vld [tilespmem:s20+$0x50]  }
0x68: {  	[tilespmem:s18+$0xFFFFF820 ss:$0x9] =	vst.msk $0xffff, v1;
	v1 =	vld [tilespmem:s20+$0x60]  }
0x69: {  	[tilespmem:s18+$0xFFFFF8B0 ss:$0x9] =	vst.msk $0xffff, v3;
	v3 =	vld [tilespmem:s20+$0x70]  }
0x6a: {  	[tilespmem:s18+$0xFFFFF940 ss:$0x9] =	vst.msk $0xffff, v4;
	v4 =	vld [tilespmem:s20+$0x400]  }
0x6b: {  	[tilespmem:s18+$0xFFFFF9D0 ss:$0x9] =	vst.msk $0xffff, v2;
	v2 =	vld [tilespmem:s20+$0x410]  }
0x6c: {  	[tilespmem:s18+$0xFFFFFA60 ss:$0x9] =	vst.msk $0xffff, v0;
	v5 =	vld [tilespmem:s20+$0x420]  }
.Ltmp3:
0x6d: {  	[tilespmem:s18+$0xFFFFFAF0 ss:$0x9] =	vst.msk $0xffff, v1;
	v0 =	vld [tilespmem:s20+$0x430];
	(pc) =	sbr.rel @p1 .LBB1_4-.Ltmp3, $4  }
0x6e: {  	[tilespmem:s18+$0xFFFFFB80 ss:$0x9] =	vst.msk $0xffff, v3;
	v1 =	vld [tilespmem:s20+$0x440]  }
0x6f: {  	[tilespmem:s18+$0xFFFFFC10 ss:$0x9] =	vst.msk $0xffff, v4;
	v3 =	vld [tilespmem:s20+$0x450]  }
0x70: {  	[tilespmem:s18+$0xFFFFFCA0 ss:$0x9] =	vst.msk $0xffff, v2;
	v4 =	vld [tilespmem:s20+$0x460]  }
0x71: {  	v2 =	vld [tilespmem:s20+$0xFFFFF800];
	[tilespmem:s18+$0xFFFFFD30 ss:$0x9] =	vst.msk $0xffff, v5;
	s20 =	sadd.s32 $0x1000, s20  }
0x72: {  	s17 =	sadd.s32 $0x1, s17  }
0x73: {  	p1 =	sne.s32 s17, $0x8  }
.Ltmp4:
0x74: {  	[tilespmem:s18+$0xFFFFFDC0 ss:$0x9] =	vst.msk $0xffff, v0;
	(pc) =	sbr.rel @p1 .LBB1_3-.Ltmp4, $4  }
0x75: {  	[tilespmem:s18+$0xFFFFFE50 ss:$0x9] =	vst.msk $0xffff, v1  }
0x76: {  	[tilespmem:s18+$0xFFFFFEE0 ss:$0x9] =	vst.msk $0xffff, v3  }
0x77: {  	[tilespmem:s18+$0xFFFFFF70 ss:$0x9] =	vst.msk $0xffff, v4  }
0x78: {  	s15 =	sadd.s32 $0x1, s15;
	s16 =	sadd.s32 $0x80, s16;
	[tilespmem:s18+$0xFFFFEE90 ss:$0x9] =	vst.msk $0xffff, v2  }
0x79: {  	s13 =	sshll.u32 s13, $0x7;
	s15 =	sshll.u32 s12, $0x3  }
0x7a: {  	s16 =	sand.u32 $0xFFFFFC00, s13;
	s15 =	sand.u32 $0xFFFFFC00, s15  }
0x7b: {  	s13 =	sand.u32 $0x380, s13;
	s15 =	sadd.s32 s15, s16  }
0x7c: {  	s13 =	sor.u32 s13, s15  }
0x7d: {  	s13 =	sshrl.u32 s13, $0x7  }
0x7e: {  	s28 =	smulhi.u32 $0x6BCA1B, s13;
	_ =	sdelay $0x1  }
0x7f: {  	s15 =	sshrl.u32 s28, $0xA  }
0x80: {  	s15 =	smul.u32 $0x98000, s15  }
.Ltmp5:
0x81: {  	s29 =	sshrl.u32 s12, $0x3;
	(pc) =	sbr.rel .LBB1_7-.Ltmp5, $4  }
0x82: {  	s31 =	sand.u32 $0x7, s12;
	s30 =	sand.u32 $0xF, s29;
	s13 =	ssub.s32 s13, s15  }
0x83: {  	s12 =	sshll.u32 s31, $0x12;
	s15 =	sadd.s32 s6, s30;
	s13 =	sshll.u32 s13, $0x4  }
0x84: {  	s12 =	sor.u32 $0x8, s12;
	s13 =	sadd.s32 s13, s15  }
0x85: {  	[hbm4b:s13+s12] =	stream.strided.scatter [tilespmem:s14], [sflag:$0x2], $0x4000, s8, s12, $0x0;
	[tilespmem:$0x11000] =	vst v63  }
.LBB1_8:
0x86: {  	_ =	sfence.sel $0x180000  }
0x87: {  	s2 =	simm.s32 $0x1;
	[bflag:$0x0] =	sbarrier.arrive $0xFFFF  }
0x88: {  	s31 =	simm.s32 $0x2;
	[sflag:s2] =	ssyncpa.u1 $0x1  }
0x89: {  	[sflag:s31] =	ssyncpa.u1 $0x1  }
0x8a: {  	p0 =	sne.s32 s0, $0x0;
	_ =	strace $0x90000047  }
0x8b: {  	s0 =	sadd.s32 @!p0 $0x100000, s1;
	[bflag:$0x2] =	sbarrier.arrive $0xFFFF  }
0x8c: {  	[sflag:s0] =	ssyncadd.tile.s32 @!p0 $0x1;
	_ =	shalt  }
.Lfunc_end1:
_tile_overlayer_lowered:
.L_overlay_start_2:
0x8d: {  	(tag) =	ssettag $0x2  }
0x8e: {  	s0 =	rddreg [dreg:$0x0];
	s2 =	stileid.u32  }
0x8f: {  	s1 =	rddreg [dreg:$0x1];
	p0 =	sne.s32 s2, $0x0  }
0x90: {  	s3 =	rddreg [dreg:$0x2];
	[bflag:$0x3] =	sbarrier.arrive $0xFFFF;
	s2 =	simm.s32 @!p0 $0x1C01  }
0x91: {  	[timem:s3], [sflag:s2] =	dma.local @!p0 [hbm:s0], s1  }
0x92: {  	s0 =	simm.s32 @!p0 $0x1  }
0x93: {  	_ =	swait.ge @!p0 [sflag:s0], s1  }
0x94: {  	s1 =	ssub.s32 @!p0 $0x0, s1;
	[sflag:s0] =	ssyncset.done @!p0 $0x0  }
0x95: {  	[sflag:s0] =	ssyncadd.s32 @!p0 s1  }
0x96: {  	[bflag:$0x3] =	sbarrier.arrive $0xFFFF  }
0x97: {  	_ =	shalt  }

</sc_bundles>
